<compile_context>
chip_gen: v7x
topology: tpu7x:2x2x1
jax: 0.10.2.dev20260603
libtpu: 0.0.44.dev20260713+nightly
codegen_flags: <defaults>
</compile_context>

<pallas_src>
import functools
import math

import jax
import jax.numpy as jnp
from jax import lax
from jax.experimental import pallas as pl
from jax.experimental.pallas import tpu as pltpu
from jax.experimental.pallas import tpu_sc as plsc

_NC = 2
_NS = 16
_NW = _NC * _NS

_T = 64
_B = 512

_INTERPRET = False


def _sc_gather_rows(table, idx):
    P = idx.shape[0]
    D = table.shape[1]
    per_w = P // _NW
    CH = 128
    n_full = per_w // CH
    tail = per_w - n_full * CH
    mesh = plsc.VectorSubcoreMesh(core_axis_name="c", subcore_axis_name="s",
                                  num_cores=_NC, num_subcores=_NS)

    @functools.partial(
        pl.kernel,
        out_type=jax.ShapeDtypeStruct((P, D), jnp.float32),
        mesh=mesh,
        scratch_types=[
            pltpu.VMEM((per_w,), jnp.int32),
            pltpu.VMEM((CH, D), jnp.float32),
            pltpu.SemaphoreType.DMA,
        ],
    )
    def gather_k(table_hbm, idx_hbm, out_hbm, idx_v, rows_v, sem):
        wid = lax.axis_index("s") * _NC + lax.axis_index("c")
        base = wid * per_w
        pltpu.sync_copy(idx_hbm.at[pl.ds(base, per_w)], idx_v)

        def chunk(c, carry):
            off = c * CH
            pltpu.async_copy(table_hbm.at[idx_v.at[pl.ds(off, CH)]],
                             rows_v, sem).wait()
            pltpu.sync_copy(rows_v, out_hbm.at[pl.ds(base + off, CH)])
            return carry

        lax.fori_loop(0, n_full, chunk, 0)
        if tail:
            off = n_full * CH
            pltpu.async_copy(table_hbm.at[idx_v.at[pl.ds(off, tail)]],
                             rows_v.at[pl.ds(0, tail)], sem).wait()
            pltpu.sync_copy(rows_v.at[pl.ds(0, tail)],
                            out_hbm.at[pl.ds(base + off, tail)])

    return gather_k(table, idx)


def _fused_body(n_nodes, scale, tt_ref, bb_ref, ff_ref, x_ref, rbf_ref,
                aux_ref, idx_ref, xj_ref, wq_ref, wk_ref, w0_ref, b0_ref,
                w1_ref, b1_ref, rsum_ref, out_ref):
    H = lax.Precision.HIGHEST
    g = pl.program_id(0)
    t = tt_ref[g]
    nf = jnp.float32(n_nodes)

    @pl.when(ff_ref[g] == 1)
    def _zero():
        out_ref[...] = jnp.zeros_like(out_ref)

    rbf = rbf_ref[...]
    aux = aux_ref[...]
    idx = idx_ref[...][:, 0:1]
    xj = xj_ref[...]
    sph = aux[:, 0:4]
    phi = aux[:, 4:5]
    msk = aux[:, 5:6]

    h = jnp.dot(rbf, w0_ref[...], precision=H) + b0_ref[0:1, :]
    h = h * jax.nn.sigmoid(h)
    w = jnp.dot(h, w1_ref[...], precision=H) + b1_ref[0:1, :]
    wij = w * phi

    il = idx - t * _T
    S = (il == lax.broadcasted_iota(jnp.int32, (_B, _T), 1)).astype(jnp.float32)
    xi = jnp.dot(S, x_ref[...], precision=H)

    q = jnp.dot(xi, wq_ref[...], precision=H)
    kk = jnp.dot(xj, wk_ref[...], precision=H)
    ok = msk != 0
    q = jnp.where(ok, q * msk, nf)
    kk = jnp.where(ok, kk * msk, nf)
    prod = q * kk * wij
    alpha8 = jnp.dot(prod, rsum_ref[...], precision=H) * jnp.float32(scale)
    a0 = alpha8[:, 0:4]
    a1 = alpha8[:, 4:8]

    xjm = jnp.where(ok, xj * msk, nf).reshape(_B, 4, 32)
    zs = []
    for m in range(4):
        am = a0 if m == 0 else a1
        zm = (am[:, :, None] * xjm).reshape(_B, 128) * sph[:, m:m + 1]
        zs.append(zm)
    z = jnp.concatenate(zs, axis=1)

    out_ref[...] += lax.dot_general(S, z, (((0,), (0,)), ((), ())), precision=H)


def kernel(x, rbf_ij, sph_ij, phi_r_cut, idx_i, idx_j, pair_mask,
           W_Q, W_K, mlp_W0, mlp_b0, mlp_W1, mlp_b1):
    n, F = x.shape
    P = idx_i.shape[0]
    n_head = W_Q.shape[1]
    n_deg = W_Q.shape[0]
    m_tot = sph_ij.shape[1]
    d_h = F // n_head
    scale = 1.0 / math.sqrt(F / n_head)

    NT = -(-n // _T)
    NB = -(-P // _B)
    NG = NB + NT
    n_rows = NT * _T
    Ppad = (NB + 1) * _B

    idx_i = idx_i.astype(jnp.int32)
    idx_j = idx_j.astype(jnp.int32)

    xj_g = _sc_gather_rows(x, idx_j)

    aux = jnp.concatenate(
        [sph_ij, phi_r_cut[:, None], pair_mask[:, None],
         jnp.zeros((P, 2), jnp.float32)], axis=1)

    pad = Ppad - P
    rbf_p = jnp.concatenate(
        [rbf_ij, jnp.zeros((pad, rbf_ij.shape[1]), jnp.float32)], 0)
    aux_p = jnp.concatenate([aux, jnp.zeros((pad, 8), jnp.float32)], 0)
    idx8 = jnp.tile(idx_i[:, None], (1, 8))
    idx8_p = jnp.concatenate([idx8, jnp.full((pad, 8), n_rows, jnp.int32)], 0)
    xj_p = jnp.concatenate([xj_g, jnp.zeros((pad, F), jnp.float32)], 0)
    x_pad = jnp.concatenate([x, jnp.zeros((n_rows - n, F), jnp.float32)], 0)

    starts = jnp.searchsorted(
        idx_i, jnp.arange(NT + 1, dtype=jnp.int32) * _T).astype(jnp.int32)
    s_lo = starts[:-1]
    s_hi = starts[1:]
    nonempty = s_hi > s_lo
    fb = s_lo // _B
    lb = jnp.where(nonempty, (s_hi - 1) // _B, fb)
    cnt = jnp.where(nonempty, lb - fb + 1, 1)
    fbp = jnp.where(nonempty, fb, NB)
    o = jnp.concatenate([jnp.zeros((1,), jnp.int32),
                         jnp.cumsum(cnt, dtype=jnp.int32)])
    tot = o[NT]
    gg = jnp.arange(NG, dtype=jnp.int32)
    tt = jnp.searchsorted(o, gg, side='right').astype(jnp.int32) - 1
    real = gg < tot
    tt = jnp.where(real, jnp.clip(tt, 0, NT - 1), NT - 1)
    bb = jnp.where(real, fbp[tt] + (gg - o[tt]), NB)
    bb = jnp.clip(bb, 0, NB)
    ff = jnp.concatenate([jnp.ones((1,), jnp.int32),
                          (tt[1:] != tt[:-1]).astype(jnp.int32)])

    eye = jnp.eye(n_head, dtype=jnp.float32)
    WQb = jnp.einsum('hg,dgab->hbdga', eye, W_Q).reshape(F, n_deg * F)
    WKb = jnp.einsum('hg,dgab->hbdga', eye, W_K).reshape(F, n_deg * F)
    rsum = (jnp.arange(n_deg * F)[:, None] // d_h
            == jnp.arange(n_deg * n_head)[None, :]).astype(jnp.float32)
    b0_t = jnp.tile(mlp_b0[None, :], (8, 1))
    b1_t = jnp.tile(mlp_b1[None, :], (8, 1))

    grid_spec = pltpu.PrefetchScalarGridSpec(
        num_scalar_prefetch=3,
        grid=(NG,),
        in_specs=[
            pl.BlockSpec((_T, F), lambda g, tt, bb, ff: (tt[g], 0)),
            pl.BlockSpec((_B, 32), lambda g, tt, bb, ff: (bb[g], 0)),
            pl.BlockSpec((_B, 8), lambda g, tt, bb, ff: (bb[g], 0)),
            pl.BlockSpec((_B, 8), lambda g, tt, bb, ff: (bb[g], 0)),
            pl.BlockSpec((_B, F), lambda g, tt, bb, ff: (bb[g], 0)),
            pl.BlockSpec((F, n_deg * F), lambda g, tt, bb, ff: (0, 0)),
            pl.BlockSpec((F, n_deg * F), lambda g, tt, bb, ff: (0, 0)),
            pl.BlockSpec((32, 64), lambda g, tt, bb, ff: (0, 0)),
            pl.BlockSpec((8, 64), lambda g, tt, bb, ff: (0, 0)),
            pl.BlockSpec((64, n_deg * F), lambda g, tt, bb, ff: (0, 0)),
            pl.BlockSpec((8, n_deg * F), lambda g, tt, bb, ff: (0, 0)),
            pl.BlockSpec((n_deg * F, n_deg * n_head),
                         lambda g, tt, bb, ff: (0, 0)),
        ],
        out_specs=pl.BlockSpec((_T, m_tot * F), lambda g, tt, bb, ff: (tt[g], 0)),
    )

    out_pad = pl.pallas_call(
        functools.partial(_fused_body, n, scale),
        grid_spec=grid_spec,
        out_shape=jax.ShapeDtypeStruct((n_rows, m_tot * F), jnp.float32),
        interpret=_INTERPRET,
    )(tt, bb, ff, x_pad, rbf_p, aux_p, idx8_p, xj_p, WQb, WKb,
      mlp_W0, b0_t, mlp_W1, b1_t, rsum)

    return out_pad[:n].reshape(n, m_tot, F)

# --- scband reference (transcript-rebuilt; emitter-appended) ---
"""Pipeline reference for scband-first-dot-prod-att-aggr-4045859192940 (READ-ONLY COPY).

The authoritative reference and input builder live on the scoring server;
editing this copy changes nothing except your own understanding.
"""

import jax, jax.numpy as jnp
import numpy as np

N_NODES = 10000
N_PAIR = 160000
F = 128
N_HEAD = 4
N_DEG = 2
REPEATS = np.array([1, 3])
M_TOT = 4
K_RBF = 32
D_H = F // N_HEAD
HID = 64


def safe_scale(v, scale, placeholder):
    return jnp.where(scale != 0, v * scale, placeholder)


def setup_inputs(seed: int = 0) -> dict:
    key = jax.random.key(seed)
    ks = jax.random.split(key, 12)
    x = jax.random.normal(ks[0], (N_NODES, F), dtype=jnp.float32)
    rbf_ij = jax.random.uniform(ks[1], (N_PAIR, K_RBF), dtype=jnp.float32)
    sph_ij = jax.random.normal(ks[2], (N_PAIR, M_TOT), dtype=jnp.float32)
    phi_r_cut = jax.random.uniform(ks[3], (N_PAIR,), dtype=jnp.float32)
    idx_i = jnp.sort(jax.random.randint(ks[4], (N_PAIR,), 0, N_NODES))
    idx_j = jax.random.randint(ks[5], (N_PAIR,), 0, N_NODES)
    pair_mask = jnp.ones((N_PAIR,), dtype=jnp.float32)
    W_Q = jax.random.normal(ks[6], (N_DEG, N_HEAD, D_H, D_H), dtype=jnp.float32) / np.sqrt(D_H)
    W_K = jax.random.normal(ks[7], (N_DEG, N_HEAD, D_H, D_H), dtype=jnp.float32) / np.sqrt(D_H)
    mlp_W0 = jax.random.normal(ks[8], (K_RBF, HID), dtype=jnp.float32) / np.sqrt(K_RBF)
    mlp_b0 = jnp.zeros((HID,), dtype=jnp.float32)
    mlp_W1 = jax.random.normal(ks[9], (HID, N_DEG * F), dtype=jnp.float32) / np.sqrt(HID)
    mlp_b1 = jnp.zeros((N_DEG * F,), dtype=jnp.float32)
    return {"x": x, "rbf_ij": rbf_ij, "sph_ij": sph_ij, "phi_r_cut": phi_r_cut,
            "idx_i": idx_i, "idx_j": idx_j, "pair_mask": pair_mask,
            "W_Q": W_Q, "W_K": W_K, "mlp_W0": mlp_W0, "mlp_b0": mlp_b0,
            "mlp_W1": mlp_W1, "mlp_b1": mlp_b1}


def reference(x, rbf_ij, sph_ij, phi_r_cut, idx_i, idx_j, pair_mask,
              W_Q, W_K, mlp_W0, mlp_b0, mlp_W1, mlp_b1):
    n = x.shape[0]
    # split heads: (n, F) -> (n, n_head, d_h)
    x_head = x.reshape(n, N_HEAD, D_H)
    # per-degree, per-head linear maps: equivalent to the nested vmap matmuls
    Q = jnp.einsum('dhab,nhb->ndha', W_Q, x_head)
    K = jnp.einsum('dhab,nhb->ndha', W_K, x_head)
    # gather endpoints and mask (safe_scale with placeholder=len(x))
    Q_i = safe_scale(Q[idx_i], pair_mask[:, None, None, None], float(n))
    K_j = safe_scale(K[idx_j], pair_mask[:, None, None, None], float(n))
    # RadialFilter: MLP(rbf) -> reshape -> scale by cutoff
    h = jax.nn.silu(rbf_ij @ mlp_W0 + mlp_b0)
    h = h @ mlp_W1 + mlp_b1
    W_ij = h.reshape(-1, N_DEG, N_HEAD, D_H) * phi_r_cut[:, None, None, None]
    # attention coefficients per degree per head
    alpha_ij = jnp.sum(Q_i * K_j * W_ij, axis=-1)  # (P, n_deg, n_head)
    # repeat degrees into m_tot spherical components
    alpha_ij = jnp.repeat(alpha_ij, REPEATS, axis=1, total_repeat_length=M_TOT)  # (P, m_tot, n_head)
    # att_scale=True
    alpha_ij = alpha_ij / jnp.sqrt(F / N_HEAD)
    # gather neighbor features and mask
    x_j_head = safe_scale(x_head[idx_j], pair_mask[:, None, None], float(n))  # (P, n_head, d_h)
    # outer product of sph with each head's features: (P, n_head, m_tot, d_h)
    z_ij = jnp.einsum('pm,phf->phmf', sph_ij, x_j_head)
    z_ij = jnp.transpose(z_ij, (0, 2, 1, 3))  # (P, m_tot, n_head, d_h)
    z_ij = alpha_ij[:, :, :, None] * z_ij
    z_ij = z_ij.reshape(z_ij.shape[0], z_ij.shape[1], -1)  # (P, m_tot, F)
    return jax.ops.segment_sum(z_ij, idx_i, num_segments=n)  # (n, m_tot, F)

if __name__ == "__main__":
    import jax
    _d = setup_inputs()
    print(jax.jit(kernel)(*tuple(_d.values())))

</pallas_src>

<mosaic_0001>
#map = affine_map<(d0, d1) -> (0, 0)>
#map1 = affine_map<(d0, d1) -> (0)>
module attributes {stable_mosaic.version = 14 : i64} {
  func.func @gather_k(%arg0: i32, %arg1: i32, %arg2: memref<10000x128xf32, #tpu.memory_space<hbm>>, %arg3: memref<160000xi32, #tpu.memory_space<hbm>>, %arg4: memref<160000x128xf32, #tpu.memory_space<hbm>>, %arg5: memref<5000xi32, #tpu.memory_space<vmem>>, %arg6: memref<128x128xf32, #tpu.memory_space<vmem>>, %arg7: memref<!tpu.dma_semaphore, #tpu.memory_space<semaphore_mem>>) attributes {dimension_semantics = [#tpu.dimension_semantics<core_parallel>, #tpu.dimension_semantics<subcore_parallel>], iteration_bounds = array<i64: 2, 16>, scalar_prefetch = 0 : i64, scratch_operands = 3 : i64, tpu.core_type = #tpu.core_type<sc_vector_subcore>, window_params = [{transform_indices = #map}, {transform_indices = #map1}, {transform_indices = #map}]} {
    %mul3A = arith.constant 2 : i32
    %mul3A_0 = arith.muli %arg1, %mul3A : i32
    %add3A = arith.addi %mul3A_0, %arg0 : i32
    %mul3A_1 = arith.constant 5000 : i32
    %mul3A_2 = arith.muli %add3A, %mul3A_1 : i32
    "tpu.region"() ({
      %run_scoped3A = tpu.sem_alloc : memref<!tpu.dma_semaphore, #tpu.memory_space<semaphore_mem>>
      %dma_start3A_24 = tpu.memref_slice %arg3[%mul3A_2] : memref<160000xi32, #tpu.memory_space<hbm>> -> memref<5000xi32, #tpu.memory_space<hbm>>
      %dma_start3A_25 = tpu.memref_slice %arg3[%mul3A_2] : memref<160000xi32, #tpu.memory_space<hbm>> -> memref<5000xi32, #tpu.memory_space<hbm>>
      tpu.enqueue_dma source(%dma_start3A_25 : memref<5000xi32, #tpu.memory_space<hbm>>) target(%arg5 : memref<5000xi32, #tpu.memory_space<vmem>>) target_semaphore(%run_scoped3A : memref<!tpu.dma_semaphore, #tpu.memory_space<semaphore_mem>>)
      %dma_wait3A_26 = tpu.memref_slice %arg3[%mul3A_2] : memref<160000xi32, #tpu.memory_space<hbm>> -> memref<5000xi32, #tpu.memory_space<hbm>>
      %dma_wait3A_27 = tpu.memref_slice %arg3[%mul3A_2] : memref<160000xi32, #tpu.memory_space<hbm>> -> memref<5000xi32, #tpu.memory_space<hbm>>
      tpu.wait_dma2 semaphore(%run_scoped3A : memref<!tpu.dma_semaphore, #tpu.memory_space<semaphore_mem>>) src(%dma_wait3A_27 : memref<5000xi32, #tpu.memory_space<hbm>>) dst(%arg5 : memref<5000xi32, #tpu.memory_space<vmem>>)
      tpu.yield
    }) : () -> ()
    %scan3A = arith.constant 0 : i32
    %scan3A_3 = arith.constant 0 : i32
    %scan3A_4 = arith.constant 39 : i32
    %scan3A_5 = arith.addi %scan3A_3, %scan3A_4 : i32
    %scan3A_6 = arith.constant 1 : i32
    scf.for %scan3A_24 = %scan3A_3 to %scan3A_5 step %scan3A_6  : i32 {
      %mul3A_25 = arith.constant 128 : i32
      %mul3A_26 = arith.muli %scan3A_24, %mul3A_25 : i32
      %dma_start3A_27 = tpu.memref_slice %arg5[%mul3A_26] : memref<5000xi32, #tpu.memory_space<vmem>> -> memref<128xi32, #tpu.memory_space<vmem>>
      %dma_start3A_28 = arith.constant 0 : i32
      %dma_start3A_29 = arith.constant 0 : i32
      %dma_start3A_30 = tpu.memref_slice %arg2[%dma_start3A_28, %dma_start3A_29] : memref<10000x128xf32, #tpu.memory_space<hbm>> -> memref<10000x128xf32, #tpu.memory_space<hbm>>
      tpu.enqueue_indirect_dma source(%dma_start3A_30 : memref<10000x128xf32, #tpu.memory_space<hbm>>) target(%arg6 : memref<128x128xf32, #tpu.memory_space<vmem>>) offsets(%dma_start3A_27 : memref<128xi32, #tpu.memory_space<vmem>>) semaphore(%arg7 : memref<!tpu.dma_semaphore, #tpu.memory_space<semaphore_mem>>)
      %dma_wait3A_31 = tpu.memref_slice %arg5[%mul3A_26] : memref<5000xi32, #tpu.memory_space<vmem>> -> memref<128xi32, #tpu.memory_space<vmem>>
      %dma_wait3A_32 = arith.constant 0 : i32
      %dma_wait3A_33 = arith.constant 0 : i32
      %dma_wait3A_34 = tpu.memref_slice %arg2[%dma_wait3A_32, %dma_wait3A_33] : memref<10000x128xf32, #tpu.memory_space<hbm>> -> memref<10000x128xf32, #tpu.memory_space<hbm>>
      tpu.wait_indirect_dma semaphore(%arg7 : memref<!tpu.dma_semaphore, #tpu.memory_space<semaphore_mem>>) src(%dma_wait3A_34 : memref<10000x128xf32, #tpu.memory_space<hbm>>) dst(%arg6 : memref<128x128xf32, #tpu.memory_space<vmem>>)
      %add3A_35 = arith.addi %mul3A_2, %mul3A_26 : i32
      "tpu.region"() ({
        %run_scoped3A = tpu.sem_alloc : memref<!tpu.dma_semaphore, #tpu.memory_space<semaphore_mem>>
        %dma_start3A_36 = arith.constant 0 : i32
        %dma_start3A_37 = tpu.memref_slice %arg4[%add3A_35, %dma_start3A_36] : memref<160000x128xf32, #tpu.memory_space<hbm>> -> memref<128x128xf32, #tpu.memory_space<hbm>>
        %dma_start3A_38 = arith.constant 0 : i32
        %dma_start3A_39 = tpu.memref_slice %arg4[%add3A_35, %dma_start3A_38] : memref<160000x128xf32, #tpu.memory_space<hbm>> -> memref<128x128xf32, #tpu.memory_space<hbm>>
        tpu.enqueue_dma source(%arg6 : memref<128x128xf32, #tpu.memory_space<vmem>>) target(%dma_start3A_39 : memref<128x128xf32, #tpu.memory_space<hbm>>) target_semaphore(%run_scoped3A : memref<!tpu.dma_semaphore, #tpu.memory_space<semaphore_mem>>)
        %dma_wait3A_40 = arith.constant 0 : i32
        %dma_wait3A_41 = tpu.memref_slice %arg4[%add3A_35, %dma_wait3A_40] : memref<160000x128xf32, #tpu.memory_space<hbm>> -> memref<128x128xf32, #tpu.memory_space<hbm>>
        %dma_wait3A_42 = arith.constant 0 : i32
        %dma_wait3A_43 = tpu.memref_slice %arg4[%add3A_35, %dma_wait3A_42] : memref<160000x128xf32, #tpu.memory_space<hbm>> -> memref<128x128xf32, #tpu.memory_space<hbm>>
        tpu.wait_dma2 semaphore(%run_scoped3A : memref<!tpu.dma_semaphore, #tpu.memory_space<semaphore_mem>>) src(%arg6 : memref<128x128xf32, #tpu.memory_space<vmem>>) dst(%dma_wait3A_43 : memref<128x128xf32, #tpu.memory_space<hbm>>)
        tpu.yield
      }) : () -> ()
    }
    %scan3A_7 = arith.constant 39 : i32
    %dma_start3A = arith.constant 0 : i32
    %dma_start3A_8 = arith.constant 0 : i32
    %dma_start3A_9 = tpu.memref_slice %arg6[%dma_start3A, %dma_start3A_8] : memref<128x128xf32, #tpu.memory_space<vmem>> -> memref<8x128xf32, #tpu.memory_space<vmem>>
    %dma_start3A_10 = arith.constant 4992 : i32
    %dma_start3A_11 = tpu.memref_slice %arg5[%dma_start3A_10] : memref<5000xi32, #tpu.memory_space<vmem>> -> memref<8xi32, #tpu.memory_space<vmem>>
    %dma_start3A_12 = arith.constant 0 : i32
    %dma_start3A_13 = arith.constant 0 : i32
    %dma_start3A_14 = tpu.memref_slice %arg2[%dma_start3A_12, %dma_start3A_13] : memref<10000x128xf32, #tpu.memory_space<hbm>> -> memref<10000x128xf32, #tpu.memory_space<hbm>>
    tpu.enqueue_indirect_dma source(%dma_start3A_14 : memref<10000x128xf32, #tpu.memory_space<hbm>>) target(%dma_start3A_9 : memref<8x128xf32, #tpu.memory_space<vmem>>) offsets(%dma_start3A_11 : memref<8xi32, #tpu.memory_space<vmem>>) semaphore(%arg7 : memref<!tpu.dma_semaphore, #tpu.memory_space<semaphore_mem>>)
    %dma_wait3A = arith.constant 0 : i32
    %dma_wait3A_15 = arith.constant 0 : i32
    %dma_wait3A_16 = tpu.memref_slice %arg6[%dma_wait3A, %dma_wait3A_15] : memref<128x128xf32, #tpu.memory_space<vmem>> -> memref<8x128xf32, #tpu.memory_space<vmem>>
    %dma_wait3A_17 = arith.constant 4992 : i32
    %dma_wait3A_18 = tpu.memref_slice %arg5[%dma_wait3A_17] : memref<5000xi32, #tpu.memory_space<vmem>> -> memref<8xi32, #tpu.memory_space<vmem>>
    %dma_wait3A_19 = arith.constant 0 : i32
    %dma_wait3A_20 = arith.constant 0 : i32
    %dma_wait3A_21 = tpu.memref_slice %arg2[%dma_wait3A_19, %dma_wait3A_20] : memref<10000x128xf32, #tpu.memory_space<hbm>> -> memref<10000x128xf32, #tpu.memory_space<hbm>>
    tpu.wait_indirect_dma semaphore(%arg7 : memref<!tpu.dma_semaphore, #tpu.memory_space<semaphore_mem>>) src(%dma_wait3A_21 : memref<10000x128xf32, #tpu.memory_space<hbm>>) dst(%dma_wait3A_16 : memref<8x128xf32, #tpu.memory_space<vmem>>)
    %add3A_22 = arith.constant 4992 : i32
    %add3A_23 = arith.addi %mul3A_2, %add3A_22 : i32
    "tpu.region"() ({
      %run_scoped3A = tpu.sem_alloc : memref<!tpu.dma_semaphore, #tpu.memory_space<semaphore_mem>>
      %dma_start3A_24 = arith.constant 0 : i32
      %dma_start3A_25 = arith.constant 0 : i32
      %dma_start3A_26 = tpu.memref_slice %arg6[%dma_start3A_24, %dma_start3A_25] : memref<128x128xf32, #tpu.memory_space<vmem>> -> memref<8x128xf32, #tpu.memory_space<vmem>>
      %dma_start3A_27 = arith.constant 0 : i32
      %dma_start3A_28 = tpu.memref_slice %arg4[%add3A_23, %dma_start3A_27] : memref<160000x128xf32, #tpu.memory_space<hbm>> -> memref<8x128xf32, #tpu.memory_space<hbm>>
      %dma_start3A_29 = arith.constant 0 : i32
      %dma_start3A_30 = tpu.memref_slice %arg4[%add3A_23, %dma_start3A_29] : memref<160000x128xf32, #tpu.memory_space<hbm>> -> memref<8x128xf32, #tpu.memory_space<hbm>>
      %dma_start3A_31 = arith.constant 0 : i32
      %dma_start3A_32 = arith.constant 0 : i32
      %dma_start3A_33 = tpu.memref_slice %arg6[%dma_start3A_31, %dma_start3A_32] : memref<128x128xf32, #tpu.memory_space<vmem>> -> memref<8x128xf32, #tpu.memory_space<vmem>>
      tpu.enqueue_dma source(%dma_start3A_33 : memref<8x128xf32, #tpu.memory_space<vmem>>) target(%dma_start3A_30 : memref<8x128xf32, #tpu.memory_space<hbm>>) target_semaphore(%run_scoped3A : memref<!tpu.dma_semaphore, #tpu.memory_space<semaphore_mem>>)
      %dma_wait3A_34 = arith.constant 0 : i32
      %dma_wait3A_35 = arith.constant 0 : i32
      %dma_wait3A_36 = tpu.memref_slice %arg6[%dma_wait3A_34, %dma_wait3A_35] : memref<128x128xf32, #tpu.memory_space<vmem>> -> memref<8x128xf32, #tpu.memory_space<vmem>>
      %dma_wait3A_37 = arith.constant 0 : i32
      %dma_wait3A_38 = tpu.memref_slice %arg4[%add3A_23, %dma_wait3A_37] : memref<160000x128xf32, #tpu.memory_space<hbm>> -> memref<8x128xf32, #tpu.memory_space<hbm>>
      %dma_wait3A_39 = arith.constant 0 : i32
      %dma_wait3A_40 = tpu.memref_slice %arg4[%add3A_23, %dma_wait3A_39] : memref<160000x128xf32, #tpu.memory_space<hbm>> -> memref<8x128xf32, #tpu.memory_space<hbm>>
      %dma_wait3A_41 = arith.constant 0 : i32
      %dma_wait3A_42 = arith.constant 0 : i32
      %dma_wait3A_43 = tpu.memref_slice %arg6[%dma_wait3A_41, %dma_wait3A_42] : memref<128x128xf32, #tpu.memory_space<vmem>> -> memref<8x128xf32, #tpu.memory_space<vmem>>
      tpu.wait_dma2 semaphore(%run_scoped3A : memref<!tpu.dma_semaphore, #tpu.memory_space<semaphore_mem>>) src(%dma_wait3A_43 : memref<8x128xf32, #tpu.memory_space<vmem>>) dst(%dma_wait3A_40 : memref<8x128xf32, #tpu.memory_space<hbm>>)
      tpu.yield
    }) : () -> ()
    return
  }
}

module attributes {stable_mosaic.version = 14 : i64} {
  func.func @_fused_body(%arg0: i32, %arg1: memref<470xi32, #tpu.memory_space<smem>>, %arg2: memref<470xi32, #tpu.memory_space<smem>>, %arg3: memref<470xi32, #tpu.memory_space<smem>>, %arg4: memref<64x128xf32, #tpu.memory_space<vmem>>, %arg5: memref<512x32xf32, #tpu.memory_space<vmem>>, %arg6: memref<512x8xf32, #tpu.memory_space<vmem>>, %arg7: memref<512x8xi32, #tpu.memory_space<vmem>>, %arg8: memref<512x128xf32, #tpu.memory_space<vmem>>, %arg9: memref<128x256xf32, #tpu.memory_space<vmem>>, %arg10: memref<128x256xf32, #tpu.memory_space<vmem>>, %arg11: memref<32x64xf32, #tpu.memory_space<vmem>>, %arg12: memref<8x64xf32, #tpu.memory_space<vmem>>, %arg13: memref<64x256xf32, #tpu.memory_space<vmem>>, %arg14: memref<8x256xf32, #tpu.memory_space<vmem>>, %arg15: memref<256x8xf32, #tpu.memory_space<vmem>>, %arg16: memref<64x512xf32, #tpu.memory_space<vmem>>) attributes {dimension_semantics = [#tpu.dimension_semantics<arbitrary>], iteration_bounds = array<i64: 470>, scalar_prefetch = 3 : i64, scratch_operands = 0 : i64, tpu.core_type = #tpu.core_type<tc>, window_params = [{transform_indices = @transform_0, window_bounds = array<i64: 64, 128>}, {transform_indices = @transform_1, window_bounds = array<i64: 512, 32>}, {transform_indices = @transform_2, window_bounds = array<i64: 512, 8>}, {transform_indices = @transform_3, window_bounds = array<i64: 512, 8>}, {transform_indices = @transform_4, window_bounds = array<i64: 512, 128>}, {pipeline_mode = #tpu.pipeline_mode<synchronous>, transform_indices = @transform_5, window_bounds = array<i64: 128, 256>}, {pipeline_mode = #tpu.pipeline_mode<synchronous>, transform_indices = @transform_6, window_bounds = array<i64: 128, 256>}, {pipeline_mode = #tpu.pipeline_mode<synchronous>, transform_indices = @transform_7, window_bounds = array<i64: 32, 64>}, {pipeline_mode = #tpu.pipeline_mode<synchronous>, transform_indices = @transform_8, window_bounds = array<i64: 8, 64>}, {pipeline_mode = #tpu.pipeline_mode<synchronous>, transform_indices = @transform_9, window_bounds = array<i64: 64, 256>}, {pipeline_mode = #tpu.pipeline_mode<synchronous>, transform_indices = @transform_10, window_bounds = array<i64: 8, 256>}, {pipeline_mode = #tpu.pipeline_mode<synchronous>, transform_indices = @transform_11, window_bounds = array<i64: 256, 8>}, {transform_indices = @transform_12, window_bounds = array<i64: 64, 512>}]} {
    %get3A = arith.index_cast %arg0 : i32 to index
    %get3A_0 = memref.load %arg1[%get3A] : memref<470xi32, #tpu.memory_space<smem>>
    %get3A_1 = arith.index_cast %arg0 : i32 to index
    %get3A_2 = memref.load %arg3[%get3A_1] : memref<470xi32, #tpu.memory_space<smem>>
    %eq3A = arith.constant 1 : i32
    %eq3A_3 = arith.cmpi eq, %get3A_2, %eq3A : i32
    %convert_element_type3A = arith.extui %eq3A_3 : i1 to i32
    %cond3A = arith.constant 0 : i32
    %cond3A_4 = arith.cmpi ne, %convert_element_type3A, %cond3A : i32
    scf.if %cond3A_4 {
      %broadcast_in_dim3A_135 = arith.constant 0.000000e+00 : f32
      %broadcast_in_dim3A_136 = vector.broadcast %broadcast_in_dim3A_135 : f32 to vector<64x512xf32>
      %swap3A_137 = arith.constant 0 : index
      %swap3A_138 = arith.constant 0 : index
      %swap3A_139 = vector.load %arg16[%swap3A_137, %swap3A_138] : memref<64x512xf32, #tpu.memory_space<vmem>>, vector<64x512xf32>
      tpu.vector_store %arg16[%swap3A_137, %swap3A_138], %broadcast_in_dim3A_136 {strides = array<i32>} : memref<64x512xf32, #tpu.memory_space<vmem>>, vector<64x512xf32>,
    } else {
    }
    %get3A_5 = arith.constant 0 : index
    %get3A_6 = arith.constant 0 : index
    %get3A_7 = vector.load %arg5[%get3A_5, %get3A_6] : memref<512x32xf32, #tpu.memory_space<vmem>>, vector<512x32xf32>
    %get3A_8 = arith.constant 0 : index
    %get3A_9 = arith.constant 0 : index
    %get3A_10 = vector.load %arg6[%get3A_8, %get3A_9] : memref<512x8xf32, #tpu.memory_space<vmem>>, vector<512x8xf32>
    %get3A_11 = arith.constant 0 : index
    %get3A_12 = arith.constant 0 : index
    %get3A_13 = vector.load %arg7[%get3A_11, %get3A_12] : memref<512x8xi32, #tpu.memory_space<vmem>>, vector<512x8xi32>
    %slice3A = vector.extract_strided_slice %get3A_13 {offsets = [0, 0], sizes = [512, 1], strides = [1, 1]} : vector<512x8xi32> to vector<512x1xi32>
    %get3A_14 = arith.constant 0 : index
    %get3A_15 = arith.constant 0 : index
    %get3A_16 = vector.load %arg8[%get3A_14, %get3A_15] : memref<512x128xf32, #tpu.memory_space<vmem>>, vector<512x128xf32>
    %slice3A_17 = vector.extract_strided_slice %get3A_10 {offsets = [0, 0], sizes = [512, 4], strides = [1, 1]} : vector<512x8xf32> to vector<512x4xf32>
    %slice3A_18 = vector.extract_strided_slice %get3A_10 {offsets = [0, 4], sizes = [512, 1], strides = [1, 1]} : vector<512x8xf32> to vector<512x1xf32>
    %slice3A_19 = vector.extract_strided_slice %get3A_10 {offsets = [0, 5], sizes = [512, 1], strides = [1, 1]} : vector<512x8xf32> to vector<512x1xf32>
    %get3A_20 = arith.constant 0 : index
    %get3A_21 = arith.constant 0 : index
    %get3A_22 = vector.load %arg11[%get3A_20, %get3A_21] : memref<32x64xf32, #tpu.memory_space<vmem>>, vector<32x64xf32>
    %dot_general3A = arith.constant dense<0.000000e+00> : vector<512x64xf32>
    %dot_general3A_23 = tpu.matmul %get3A_7, %get3A_22, %dot_general3A {dimension_numbers = #tpu.dot_dimension_numbers<[1], [0], [0], [1], [0, 0, 1, 1], [], []>, precision = #tpu.contract_precision<fp32>, transpose_lhs_hint = false} : vector<512x32xf32>, vector<32x64xf32>, vector<512x64xf32> -> vector<512x64xf32>
    %get3A_24 = arith.constant 0 : index
    %get3A_25 = arith.constant 0 : index
    %get3A_26 = vector.load %arg12[%get3A_24, %get3A_25] : memref<8x64xf32, #tpu.memory_space<vmem>>, vector<1x64xf32>
    %add3A = vector.broadcast %get3A_26 : vector<1x64xf32> to vector<512x64xf32>
    %add3A_27 = arith.addf %dot_general3A_23, %add3A : vector<512x64xf32>
    %logistic3A = arith.negf %add3A_27 : vector<512x64xf32>
    %logistic3A_28 = math.exp %logistic3A : vector<512x64xf32>
    %logistic3A_29 = arith.constant 1.000000e+00 : f32
    %logistic3A_30 = vector.broadcast %logistic3A_29 : f32 to vector<512x64xf32>
    %logistic3A_31 = arith.addf %logistic3A_30, %logistic3A_28 : vector<512x64xf32>
    %logistic3A_32 = arith.divf %logistic3A_30, %logistic3A_31 : vector<512x64xf32>
    %mul3A = arith.mulf %add3A_27, %logistic3A_32 : vector<512x64xf32>
    %get3A_33 = arith.constant 0 : index
    %get3A_34 = arith.constant 0 : index
    %get3A_35 = vector.load %arg13[%get3A_33, %get3A_34] : memref<64x256xf32, #tpu.memory_space<vmem>>, vector<64x256xf32>
    %dot_general3A_36 = arith.constant dense<0.000000e+00> : vector<512x256xf32>
    %dot_general3A_37 = tpu.matmul %mul3A, %get3A_35, %dot_general3A_36 {dimension_numbers = #tpu.dot_dimension_numbers<[1], [0], [0], [1], [0, 0, 1, 1], [], []>, precision = #tpu.contract_precision<fp32>, transpose_lhs_hint = false} : vector<512x64xf32>, vector<64x256xf32>, vector<512x256xf32> -> vector<512x256xf32>
    %get3A_38 = arith.constant 0 : index
    %get3A_39 = arith.constant 0 : index
    %get3A_40 = vector.load %arg14[%get3A_38, %get3A_39] : memref<8x256xf32, #tpu.memory_space<vmem>>, vector<1x256xf32>
    %add3A_41 = vector.broadcast %get3A_40 : vector<1x256xf32> to vector<512x256xf32>
    %add3A_42 = arith.addf %dot_general3A_37, %add3A_41 : vector<512x256xf32>
    %mul3A_43 = vector.broadcast %slice3A_18 : vector<512x1xf32> to vector<512x256xf32>
    %mul3A_44 = arith.mulf %add3A_42, %mul3A_43 : vector<512x256xf32>
    %mul3A_45 = arith.constant 64 : i32
    %mul3A_46 = arith.muli %get3A_0, %mul3A_45 : i32
    %sub3A = vector.broadcast %mul3A_46 : i32 to vector<512x1xi32>
    %sub3A_47 = arith.subi %slice3A, %sub3A : vector<512x1xi32>
    %iota3A = tpu.iota {dimensions = array<i32: 1>} : vector<512x64xi32>
    %eq3A_48 = vector.broadcast %sub3A_47 : vector<512x1xi32> to vector<512x64xi32>
    %eq3A_49 = arith.cmpi eq, %eq3A_48, %iota3A : vector<512x64xi32>
    %convert_element_type3A_50 = arith.extui %eq3A_49 : vector<512x64xi1> to vector<512x64xi32>
    %convert_element_type3A_51 = arith.sitofp %convert_element_type3A_50 : vector<512x64xi32> to vector<512x64xf32>
    %get3A_52 = arith.constant 0 : index
    %get3A_53 = arith.constant 0 : index
    %get3A_54 = vector.load %arg4[%get3A_52, %get3A_53] : memref<64x128xf32, #tpu.memory_space<vmem>>, vector<64x128xf32>
    %dot_general3A_55 = arith.constant dense<0.000000e+00> : vector<512x128xf32>
    %dot_general3A_56 = tpu.matmul %convert_element_type3A_51, %get3A_54, %dot_general3A_55 {dimension_numbers = #tpu.dot_dimension_numbers<[1], [0], [0], [1], [0, 0, 1, 1], [], []>, precision = #tpu.contract_precision<fp32>, transpose_lhs_hint = false} : vector<512x64xf32>, vector<64x128xf32>, vector<512x128xf32> -> vector<512x128xf32>
    %get3A_57 = arith.constant 0 : index
    %get3A_58 = arith.constant 0 : index
    %get3A_59 = vector.load %arg9[%get3A_57, %get3A_58] : memref<128x256xf32, #tpu.memory_space<vmem>>, vector<128x256xf32>
    %dot_general3A_60 = arith.constant dense<0.000000e+00> : vector<512x256xf32>
    %dot_general3A_61 = tpu.matmul %dot_general3A_56, %get3A_59, %dot_general3A_60 {dimension_numbers = #tpu.dot_dimension_numbers<[1], [0], [0], [1], [0, 0, 1, 1], [], []>, precision = #tpu.contract_precision<fp32>, transpose_lhs_hint = false} : vector<512x128xf32>, vector<128x256xf32>, vector<512x256xf32> -> vector<512x256xf32>
    %get3A_62 = arith.constant 0 : index
    %get3A_63 = arith.constant 0 : index
    %get3A_64 = vector.load %arg10[%get3A_62, %get3A_63] : memref<128x256xf32, #tpu.memory_space<vmem>>, vector<128x256xf32>
    %dot_general3A_65 = arith.constant dense<0.000000e+00> : vector<512x256xf32>
    %dot_general3A_66 = tpu.matmul %get3A_16, %get3A_64, %dot_general3A_65 {dimension_numbers = #tpu.dot_dimension_numbers<[1], [0], [0], [1], [0, 0, 1, 1], [], []>, precision = #tpu.contract_precision<fp32>, transpose_lhs_hint = false} : vector<512x128xf32>, vector<128x256xf32>, vector<512x256xf32> -> vector<512x256xf32>
    %ne3A = arith.constant 0.000000e+00 : f32
    %ne3A_67 = vector.broadcast %ne3A : f32 to vector<512x1xf32>
    %ne3A_68 = arith.cmpf one, %slice3A_19, %ne3A_67 : vector<512x1xf32>
    %mul3A_69 = vector.broadcast %slice3A_19 : vector<512x1xf32> to vector<512x256xf32>
    %mul3A_70 = arith.mulf %dot_general3A_61, %mul3A_69 : vector<512x256xf32>
    %jit3A = arith.constant 1.000000e+04 : f32
    %broadcast_in_dim3A = vector.shape_cast %ne3A_68 : vector<512x1xi1> to vector<512x1xi1>
    %broadcast_in_dim3A_71 = vector.broadcast %broadcast_in_dim3A : vector<512x1xi1> to vector<512x256xi1>
    %broadcast_in_dim3A_72 = vector.broadcast %jit3A : f32 to vector<512x256xf32>
    %select_n3A = arith.select %broadcast_in_dim3A_71, %mul3A_70, %broadcast_in_dim3A_72 : vector<512x256xi1>, vector<512x256xf32>
    %mul3A_73 = vector.broadcast %slice3A_19 : vector<512x1xf32> to vector<512x256xf32>
    %mul3A_74 = arith.mulf %dot_general3A_66, %mul3A_73 : vector<512x256xf32>
    %jit3A_75 = arith.constant 1.000000e+04 : f32
    %broadcast_in_dim3A_76 = vector.shape_cast %ne3A_68 : vector<512x1xi1> to vector<512x1xi1>
    %broadcast_in_dim3A_77 = vector.broadcast %broadcast_in_dim3A_76 : vector<512x1xi1> to vector<512x256xi1>
    %broadcast_in_dim3A_78 = vector.broadcast %jit3A_75 : f32 to vector<512x256xf32>
    %select_n3A_79 = arith.select %broadcast_in_dim3A_77, %mul3A_74, %broadcast_in_dim3A_78 : vector<512x256xi1>, vector<512x256xf32>
    %mul3A_80 = arith.mulf %select_n3A, %select_n3A_79 : vector<512x256xf32>
    %mul3A_81 = arith.mulf %mul3A_80, %mul3A_44 : vector<512x256xf32>
    %get3A_82 = arith.constant 0 : index
    %get3A_83 = arith.constant 0 : index
    %get3A_84 = vector.load %arg15[%get3A_82, %get3A_83] : memref<256x8xf32, #tpu.memory_space<vmem>>, vector<256x8xf32>
    %dot_general3A_85 = arith.constant dense<0.000000e+00> : vector<512x8xf32>
    %dot_general3A_86 = tpu.matmul %mul3A_81, %get3A_84, %dot_general3A_85 {dimension_numbers = #tpu.dot_dimension_numbers<[1], [0], [0], [1], [0, 0, 1, 1], [], []>, precision = #tpu.contract_precision<fp32>, transpose_lhs_hint = false} : vector<512x256xf32>, vector<256x8xf32>, vector<512x8xf32> -> vector<512x8xf32>
    %mul3A_87 = arith.constant 0.176776692 : f32
    %mul3A_88 = vector.broadcast %mul3A_87 : f32 to vector<512x8xf32>
    %mul3A_89 = arith.mulf %dot_general3A_86, %mul3A_88 : vector<512x8xf32>
    %slice3A_90 = vector.extract_strided_slice %mul3A_89 {offsets = [0, 0], sizes = [512, 4], strides = [1, 1]} : vector<512x8xf32> to vector<512x4xf32>
    %slice3A_91 = vector.extract_strided_slice %mul3A_89 {offsets = [0, 4], sizes = [512, 4], strides = [1, 1]} : vector<512x8xf32> to vector<512x4xf32>
    %mul3A_92 = vector.broadcast %slice3A_19 : vector<512x1xf32> to vector<512x128xf32>
    %mul3A_93 = arith.mulf %get3A_16, %mul3A_92 : vector<512x128xf32>
    %jit3A_94 = arith.constant 1.000000e+04 : f32
    %broadcast_in_dim3A_95 = vector.shape_cast %ne3A_68 : vector<512x1xi1> to vector<512x1xi1>
    %broadcast_in_dim3A_96 = vector.broadcast %broadcast_in_dim3A_95 : vector<512x1xi1> to vector<512x128xi1>
    %broadcast_in_dim3A_97 = vector.broadcast %jit3A_94 : f32 to vector<512x128xf32>
    %select_n3A_98 = arith.select %broadcast_in_dim3A_96, %mul3A_93, %broadcast_in_dim3A_97 : vector<512x128xi1>, vector<512x128xf32>
    %reshape3A = vector.shape_cast %select_n3A_98 : vector<512x128xf32> to vector<512x4x32xf32>
    %broadcast_in_dim3A_99 = vector.shape_cast %slice3A_90 : vector<512x4xf32> to vector<512x4x1xf32>
    %mul3A_100 = vector.broadcast %broadcast_in_dim3A_99 : vector<512x4x1xf32> to vector<512x4x32xf32>
    %mul3A_101 = arith.mulf %mul3A_100, %reshape3A : vector<512x4x32xf32>
    %reshape3A_102 = vector.shape_cast %mul3A_101 : vector<512x4x32xf32> to vector<512x128xf32>
    %slice3A_103 = vector.extract_strided_slice %slice3A_17 {offsets = [0, 0], sizes = [512, 1], strides = [1, 1]} : vector<512x4xf32> to vector<512x1xf32>
    %mul3A_104 = vector.broadcast %slice3A_103 : vector<512x1xf32> to vector<512x128xf32>
    %mul3A_105 = arith.mulf %reshape3A_102, %mul3A_104 : vector<512x128xf32>
    %broadcast_in_dim3A_106 = vector.shape_cast %slice3A_91 : vector<512x4xf32> to vector<512x4x1xf32>
    %mul3A_107 = vector.broadcast %broadcast_in_dim3A_106 : vector<512x4x1xf32> to vector<512x4x32xf32>
    %mul3A_108 = arith.mulf %mul3A_107, %reshape3A : vector<512x4x32xf32>
    %reshape3A_109 = vector.shape_cast %mul3A_108 : vector<512x4x32xf32> to vector<512x128xf32>
    %slice3A_110 = vector.extract_strided_slice %slice3A_17 {offsets = [0, 1], sizes = [512, 1], strides = [1, 1]} : vector<512x4xf32> to vector<512x1xf32>
    %mul3A_111 = vector.broadcast %slice3A_110 : vector<512x1xf32> to vector<512x128xf32>
    %mul3A_112 = arith.mulf %reshape3A_109, %mul3A_111 : vector<512x128xf32>
    %broadcast_in_dim3A_113 = vector.shape_cast %slice3A_91 : vector<512x4xf32> to vector<512x4x1xf32>
    %mul3A_114 = vector.broadcast %broadcast_in_dim3A_113 : vector<512x4x1xf32> to vector<512x4x32xf32>
    %mul3A_115 = arith.mulf %mul3A_114, %reshape3A : vector<512x4x32xf32>
    %reshape3A_116 = vector.shape_cast %mul3A_115 : vector<512x4x32xf32> to vector<512x128xf32>
    %slice3A_117 = vector.extract_strided_slice %slice3A_17 {offsets = [0, 2], sizes = [512, 1], strides = [1, 1]} : vector<512x4xf32> to vector<512x1xf32>
    %mul3A_118 = vector.broadcast %slice3A_117 : vector<512x1xf32> to vector<512x128xf32>
    %mul3A_119 = arith.mulf %reshape3A_116, %mul3A_118 : vector<512x128xf32>
    %broadcast_in_dim3A_120 = vector.shape_cast %slice3A_91 : vector<512x4xf32> to vector<512x4x1xf32>
    %mul3A_121 = vector.broadcast %broadcast_in_dim3A_120 : vector<512x4x1xf32> to vector<512x4x32xf32>
    %mul3A_122 = arith.mulf %mul3A_121, %reshape3A : vector<512x4x32xf32>
    %reshape3A_123 = vector.shape_cast %mul3A_122 : vector<512x4x32xf32> to vector<512x128xf32>
    %slice3A_124 = vector.extract_strided_slice %slice3A_17 {offsets = [0, 3], sizes = [512, 1], strides = [1, 1]} : vector<512x4xf32> to vector<512x1xf32>
    %mul3A_125 = vector.broadcast %slice3A_124 : vector<512x1xf32> to vector<512x128xf32>
    %mul3A_126 = arith.mulf %reshape3A_123, %mul3A_125 : vector<512x128xf32>
    %concatenate3A = tpu.concatenate %mul3A_105, %mul3A_112, %mul3A_119, %mul3A_126 in 1 : vector<512x128xf32>, vector<512x128xf32>, vector<512x128xf32>, vector<512x128xf32> -> vector<512x512xf32>
    %get3A_127 = arith.constant 0 : index
    %get3A_128 = arith.constant 0 : index
    %get3A_129 = vector.load %arg16[%get3A_127, %get3A_128] : memref<64x512xf32, #tpu.memory_space<vmem>>, vector<64x512xf32>
    %dot_general3A_130 = arith.constant dense<0.000000e+00> : vector<64x512xf32>
    %dot_general3A_131 = tpu.matmul %convert_element_type3A_51, %concatenate3A, %dot_general3A_130 {dimension_numbers = #tpu.dot_dimension_numbers<[0], [0], [1], [1], [0, 1, 1, 1], [], []>, precision = #tpu.contract_precision<fp32>, transpose_lhs_hint = false} : vector<512x64xf32>, vector<512x512xf32>, vector<64x512xf32> -> vector<64x512xf32>
    %add3A_132 = arith.addf %get3A_129, %dot_general3A_131 : vector<64x512xf32>
    %swap3A = arith.constant 0 : index
    %swap3A_133 = arith.constant 0 : index
    %swap3A_134 = vector.load %arg16[%swap3A, %swap3A_133] : memref<64x512xf32, #tpu.memory_space<vmem>>, vector<64x512xf32>
    tpu.vector_store %arg16[%swap3A, %swap3A_133], %add3A_132 {strides = array<i32>} : memref<64x512xf32, #tpu.memory_space<vmem>>, vector<64x512xf32>,
    return
  }
  func.func @transform_0(%arg0: i32, %arg1: memref<470xi32, #tpu.memory_space<smem>>, %arg2: memref<470xi32, #tpu.memory_space<smem>>, %arg3: memref<470xi32, #tpu.memory_space<smem>>) -> (i32, i32) {
    %get3A = arith.index_cast %arg0 : i32 to index
    %get3A_0 = memref.load %arg1[%get3A] : memref<470xi32, #tpu.memory_space<smem>>
    %c0_i32 = arith.constant 0 : i32
    %c0_i32_1 = arith.constant 0 : i32
    return %get3A_0, %c0_i32 : i32, i32
  }
  func.func @transform_1(%arg0: i32, %arg1: memref<470xi32, #tpu.memory_space<smem>>, %arg2: memref<470xi32, #tpu.memory_space<smem>>, %arg3: memref<470xi32, #tpu.memory_space<smem>>) -> (i32, i32) {
    %get3A = arith.index_cast %arg0 : i32 to index
    %get3A_0 = memref.load %arg2[%get3A] : memref<470xi32, #tpu.memory_space<smem>>
    %c0_i32 = arith.constant 0 : i32
    %c0_i32_1 = arith.constant 0 : i32
    return %get3A_0, %c0_i32 : i32, i32
  }
  func.func @transform_2(%arg0: i32, %arg1: memref<470xi32, #tpu.memory_space<smem>>, %arg2: memref<470xi32, #tpu.memory_space<smem>>, %arg3: memref<470xi32, #tpu.memory_space<smem>>) -> (i32, i32) {
    %get3A = arith.index_cast %arg0 : i32 to index
    %get3A_0 = memref.load %arg2[%get3A] : memref<470xi32, #tpu.memory_space<smem>>
    %c0_i32 = arith.constant 0 : i32
    %c0_i32_1 = arith.constant 0 : i32
    return %get3A_0, %c0_i32 : i32, i32
  }
  func.func @transform_3(%arg0: i32, %arg1: memref<470xi32, #tpu.memory_space<smem>>, %arg2: memref<470xi32, #tpu.memory_space<smem>>, %arg3: memref<470xi32, #tpu.memory_space<smem>>) -> (i32, i32) {
    %get3A = arith.index_cast %arg0 : i32 to index
    %get3A_0 = memref.load %arg2[%get3A] : memref<470xi32, #tpu.memory_space<smem>>
    %c0_i32 = arith.constant 0 : i32
    %c0_i32_1 = arith.constant 0 : i32
    return %get3A_0, %c0_i32 : i32, i32
  }
  func.func @transform_4(%arg0: i32, %arg1: memref<470xi32, #tpu.memory_space<smem>>, %arg2: memref<470xi32, #tpu.memory_space<smem>>, %arg3: memref<470xi32, #tpu.memory_space<smem>>) -> (i32, i32) {
    %get3A = arith.index_cast %arg0 : i32 to index
    %get3A_0 = memref.load %arg2[%get3A] : memref<470xi32, #tpu.memory_space<smem>>
    %c0_i32 = arith.constant 0 : i32
    %c0_i32_1 = arith.constant 0 : i32
    return %get3A_0, %c0_i32 : i32, i32
  }
  func.func @transform_5(%arg0: i32, %arg1: memref<470xi32, #tpu.memory_space<smem>>, %arg2: memref<470xi32, #tpu.memory_space<smem>>, %arg3: memref<470xi32, #tpu.memory_space<smem>>) -> (i32, i32) {
    %c0_i32 = arith.constant 0 : i32
    %c0_i32_0 = arith.constant 0 : i32
    %c0_i32_1 = arith.constant 0 : i32
    return %c0_i32, %c0_i32_0 : i32, i32
  }
  func.func @transform_6(%arg0: i32, %arg1: memref<470xi32, #tpu.memory_space<smem>>, %arg2: memref<470xi32, #tpu.memory_space<smem>>, %arg3: memref<470xi32, #tpu.memory_space<smem>>) -> (i32, i32) {
    %c0_i32 = arith.constant 0 : i32
    %c0_i32_0 = arith.constant 0 : i32
    %c0_i32_1 = arith.constant 0 : i32
    return %c0_i32, %c0_i32_0 : i32, i32
  }
  func.func @transform_7(%arg0: i32, %arg1: memref<470xi32, #tpu.memory_space<smem>>, %arg2: memref<470xi32, #tpu.memory_space<smem>>, %arg3: memref<470xi32, #tpu.memory_space<smem>>) -> (i32, i32) {
    %c0_i32 = arith.constant 0 : i32
    %c0_i32_0 = arith.constant 0 : i32
    %c0_i32_1 = arith.constant 0 : i32
    return %c0_i32, %c0_i32_0 : i32, i32
  }
  func.func @transform_8(%arg0: i32, %arg1: memref<470xi32, #tpu.memory_space<smem>>, %arg2: memref<470xi32, #tpu.memory_space<smem>>, %arg3: memref<470xi32, #tpu.memory_space<smem>>) -> (i32, i32) {
    %c0_i32 = arith.constant 0 : i32
    %c0_i32_0 = arith.constant 0 : i32
    %c0_i32_1 = arith.constant 0 : i32
    return %c0_i32, %c0_i32_0 : i32, i32
  }
  func.func @transform_9(%arg0: i32, %arg1: memref<470xi32, #tpu.memory_space<smem>>, %arg2: memref<470xi32, #tpu.memory_space<smem>>, %arg3: memref<470xi32, #tpu.memory_space<smem>>) -> (i32, i32) {
    %c0_i32 = arith.constant 0 : i32
    %c0_i32_0 = arith.constant 0 : i32
    %c0_i32_1 = arith.constant 0 : i32
    return %c0_i32, %c0_i32_0 : i32, i32
  }
  func.func @transform_10(%arg0: i32, %arg1: memref<470xi32, #tpu.memory_space<smem>>, %arg2: memref<470xi32, #tpu.memory_space<smem>>, %arg3: memref<470xi32, #tpu.memory_space<smem>>) -> (i32, i32) {
    %c0_i32 = arith.constant 0 : i32
    %c0_i32_0 = arith.constant 0 : i32
    %c0_i32_1 = arith.constant 0 : i32
    return %c0_i32, %c0_i32_0 : i32, i32
  }
  func.func @transform_11(%arg0: i32, %arg1: memref<470xi32, #tpu.memory_space<smem>>, %arg2: memref<470xi32, #tpu.memory_space<smem>>, %arg3: memref<470xi32, #tpu.memory_space<smem>>) -> (i32, i32) {
    %c0_i32 = arith.constant 0 : i32
    %c0_i32_0 = arith.constant 0 : i32
    %c0_i32_1 = arith.constant 0 : i32
    return %c0_i32, %c0_i32_0 : i32, i32
  }
  func.func @transform_12(%arg0: i32, %arg1: memref<470xi32, #tpu.memory_space<smem>>, %arg2: memref<470xi32, #tpu.memory_space<smem>>, %arg3: memref<470xi32, #tpu.memory_space<smem>>) -> (i32, i32) {
    %get3A = arith.index_cast %arg0 : i32 to index
    %get3A_0 = memref.load %arg1[%get3A] : memref<470xi32, #tpu.memory_space<smem>>
    %c0_i32 = arith.constant 0 : i32
    %c0_i32_1 = arith.constant 0 : i32
    return %get3A_0, %c0_i32 : i32, i32
  }
}

</mosaic_0001>

<sc_bundles>
// kernel: kernel.4.cloned.1.call-start
scs
__scs_entry_jumppad:
0x0: {  	(pc) =	sbr.rel $0x88, $3  }
0x1: {  	(tag) =	ssettag $0x0;
	lr =	simm.s32 $0x1  }
0x2: {  	[smem:$0x3F94] =	sst lr;
	_ =	strace $0xD0000000  }
0x3: {  	_ = 	snop  }
0x4: {  	_ = 	snop  }
0x5: {  	_ = 	snop  }
0x6: {  	_ = 	snop  }
0x7: {  	_ = 	snop  }
__scs_overlays_trampoline_lowered:
0x8: {  	[smem:$0x3FA3] =	sst s0  }
0x9: {  	[smem:$0x3FA4] =	sst s1  }
0xa: {  	[smem:$0x3FA5] =	sst s2  }
0xb: {  	[smem:$0x3FA6] =	sst s3  }
0xc: {  	[smem:$0x3FA7] =	sst s4  }
0xd: {  	[smem:$0x3FA8] =	sst s5  }
0xe: {  	[smem:$0x3FA9] =	sst s6  }
0xf: {  	[smem:$0x3FAA] =	sst s7  }
0x10: {  	[smem:$0x3FAB] =	sst s8  }
0x11: {  	[smem:$0x3FAC] =	sst s9;
	s0 =	simm.s32 @!p0 $0x0  }
0x12: {  	s1 =	sld [smem:$0x3F92];
	s0 =	simm.s32 @p0 $0x1  }
0x13: {  	[smem:$0x3FAD] =	sst s0;
	s0 =	simm.s32 @!p1 $0x0  }
0x14: {  	s2 =	sld [smem:$0x3F91];
	s0 =	simm.s32 @p1 $0x1  }
0x15: {  	[smem:$0x3FAE] =	sst s0;
	s0 =	simm.s32 @!p2 $0x0  }
0x16: {  	s3 =	sld [smem:$0x3FDB];
	s0 =	simm.s32 @p2 $0x1  }
0x17: {  	s4 =	simm.s32 $0x1BF5;
	[smem:$0x3FB0] =	sst s0  }
0x18: {  	s0 =	sld [smem:$0x3F93];
	_ =	swait.ge [sflag:s4], $0x0  }
0x19: {  	s7 =	sld [smem:$0x3F94]  }
0x1a: {  	s8 =	sadd.s32 $0xFFFFE003, lr  }
0x1b: {  	s9 =	sadd.s32 $0xFFFFFEF7, lr;
	s5 =	simm.s32 $0xFFFFFFFF;
	p2 =	slt.u32 s8, $0xFFFFF086  }
0x1c: {  	p1 =	slt.u32 s9, $0xF7A;
	s5 =	simm.s32 @!p2 $0x0  }
0x1d: {  	s5 =	simm.s32 @p1 $0x1;
	p0 =	seq.s32 s7, s2  }
0x1e: {  	s7 =	smul.u32 @!p0 $0xF7A, s2;
	p2 =	seq.s32 @!p0 s5, $0x0  }
0x1f: {  	s9 =	smul.u32 $0xF7A, s1;
	s8 =	simm.s32 @!p0 $0x1BF5;
	p2 =	por !p2, p0  }
0x20: {  	[sflag:s8] =	ssyncset.s32 @!p0 $0xFFFFF086;
	s6 =	sadd.s32 @!p0 s3, s7;
	s7 =	simm.s32 @!p0 $0x108  }
0x21: {  	s3 =	sadd.s32 s3, s9;
	s6 =	sadd.s32 @!p0 $0x88, s6;
	s7 =	simm.s32 @p2 $0x1082  }
0x22: {  	[simem:s7], [sflag:s8] =	dma.local @!p0 [hbm:s6], $0xF7A  }
0x23: {  	s9 =	sor.u32 $0xD0000000, s2;
	s6 =	simm.s32 $0x108;
	_ =	swait.ge @!p0 [sflag:s8], $0x0  }
0x24: {  	s3 =	sadd.s32 $0x88, s3;
	s6 =	simm.s32 @!p1 $0x1082;
	[sflag:s4] =	ssyncset.s32 $0xFFFFF086  }
0x25: {  	[simem:s6], [sflag:s4] =	dma.local [hbm:s3], $0xF7A  }
0x26: {  	[smem:$0x3F94] =	sst s1;
	(tag) =	ssettag s2;
	_ =	strace s9  }
0x27: {  	s1 =	sld [smem:$0x3FA4]  }
0x28: {  	s2 =	sld [smem:$0x3FA5]  }
0x29: {  	s4 =	sld [smem:$0x3FA7]  }
0x2a: {  	p0 =	seq.s32 s5, $0x0;
	s5 =	sld [smem:$0x3FA8]  }
0x2b: {  	s6 =	sld [smem:$0x3FA9]  }
0x2c: {  	s7 =	sld [smem:$0x3FAA]  }
0x2d: {  	s3 =	simm.s32 $0x108;
	s8 =	sld [smem:$0x3FAB]  }
0x2e: {  	s3 =	simm.s32 @!p0 $0x1082;
	s9 =	sld [smem:$0x3FAC]  }
0x2f: {  	lr =	sadd.s32 s0, s3;
	s0 =	sld [smem:$0x3FA3]  }
0x30: {  	s3 =	sld [smem:$0x3FA6]  }
0x31: {  	[smem:$0x3FAF] =	sst s10  }
0x32: {  	s10 =	sld [smem:$0x3FAD];
	_ =	sdelay $0x3  }
0x33: {  	p0 =	seq.s32 s10, $0x1;
	s10 =	sld [smem:$0x3FAF];
	_ =	sdelay $0x3  }
0x34: {  	[smem:$0x3FAF] =	sst s10  }
0x35: {  	s10 =	sld [smem:$0x3FAE];
	_ =	sdelay $0x3  }
0x36: {  	p1 =	seq.s32 s10, $0x1;
	s10 =	sld [smem:$0x3FAF];
	_ =	sdelay $0x3  }
0x37: {  	[smem:$0x3FAF] =	sst s10  }
0x38: {  	s10 =	sld [smem:$0x3FB0]  }
0x39: {  	_ = 	snop;
	(pc) =	sbr.ind lr, $3  }
0x3a: {  	_ = 	snop  }
0x3b: {  	_ = 	snop  }
0x3c: {  	p2 =	seq.s32 s10, $0x1;
	s10 =	sld [smem:$0x3FAF]  }
0x3d: {  	_ =	shalt  }
0x3e: {  	_ =	shalt  }
0x3f: {  	_ =	shalt  }
0x40: {  	_ =	shalt  }
0x41: {  	_ =	shalt  }
0x42: {  	_ =	shalt  }
0x43: {  	_ =	shalt  }
0x44: {  	_ =	shalt  }
0x45: {  	_ =	shalt  }
0x46: {  	_ =	shalt  }
0x47: {  	_ =	shalt  }
0x48: {  	_ =	shalt  }
0x49: {  	_ =	shalt  }
0x4a: {  	_ =	shalt  }
0x4b: {  	_ =	shalt  }
0x4c: {  	_ =	shalt  }
0x4d: {  	_ =	shalt  }
0x4e: {  	_ =	shalt  }
0x4f: {  	_ =	shalt  }
0x50: {  	_ =	shalt  }
0x51: {  	_ =	shalt  }
0x52: {  	_ =	shalt  }
0x53: {  	_ =	shalt  }
0x54: {  	_ =	shalt  }
0x55: {  	_ =	shalt  }
0x56: {  	_ =	shalt  }
0x57: {  	_ =	shalt  }
0x58: {  	_ =	shalt  }
0x59: {  	_ =	shalt  }
0x5a: {  	_ =	shalt  }
0x5b: {  	_ =	shalt  }
0x5c: {  	_ =	shalt  }
0x5d: {  	_ =	shalt  }
0x5e: {  	_ =	shalt  }
0x5f: {  	_ =	shalt  }
0x60: {  	_ =	shalt  }
0x61: {  	_ =	shalt  }
0x62: {  	_ =	shalt  }
0x63: {  	_ =	shalt  }
0x64: {  	_ =	shalt  }
0x65: {  	_ =	shalt  }
0x66: {  	_ =	shalt  }
0x67: {  	_ =	shalt  }
0x68: {  	_ =	shalt  }
0x69: {  	_ =	shalt  }
0x6a: {  	_ =	shalt  }
0x6b: {  	_ =	shalt  }
0x6c: {  	_ =	shalt  }
0x6d: {  	_ =	shalt  }
0x6e: {  	_ =	shalt  }
0x6f: {  	_ =	shalt  }
0x70: {  	_ =	shalt  }
0x71: {  	_ =	shalt  }
0x72: {  	_ =	shalt  }
0x73: {  	_ =	shalt  }
0x74: {  	_ =	shalt  }
0x75: {  	_ =	shalt  }
0x76: {  	_ =	shalt  }
0x77: {  	_ =	shalt  }
0x78: {  	_ =	shalt  }
0x79: {  	_ =	shalt  }
0x7a: {  	_ =	shalt  }
0x7b: {  	_ =	shalt  }
0x7c: {  	_ =	shalt  }
0x7d: {  	_ =	shalt  }
0x7e: {  	_ =	shalt  }
0x7f: {  	_ =	shalt  }
0x80: {  	_ =	shalt  }
0x81: {  	_ =	shalt  }
0x82: {  	_ =	shalt  }
0x83: {  	_ =	shalt  }
0x84: {  	_ =	shalt  }
0x85: {  	_ =	shalt  }
0x86: {  	_ =	shalt  }
0x87: {  	_ =	shalt  }
.Lfunc_end0:
.L_simem_size_0:
called_computation_lowered:
.L_overlay_start_0:
0x88: {  	s2 =	sld [smem:$0x3FD9]  }
0x89: {  	s3 =	sld [smem:$0x3FFE];
	_ =	sdelay $0x1  }
0x8a: {  	s1 =	srdreg.scid  }
0x8b: {  	s0 =	sand.u32 $0x1, s1  }
0x8c: {  	s17 =	sshll.u32 s0, $0xA;
	s2 =	sadd.s32 s3, s2  }
0x8d: {  	s2 =	sadd.s32 s2, s17  }
0x8e: {  	[smem:$0x3FBB] =	sst s2  }
0x8f: {  	_ = 	snop  }
0x90: {  	s2 =	sld [smem:$0x3FC9]  }
0x91: {  	s18 =	sld [smem:$0x3FC4];
	(tm) =	ssettm $0x1  }
0x92: {  	s4 =	sld [smem:$0x3FFB];
	_ =	sdelay $0x3  }
0x93: {  	_ =	strace s4  }
0x94: {  	s4 =	sld [smem:$0x3FFC];
	_ =	sdelay $0x3  }
0x95: {  	_ =	strace s4  }
0x96: {  	s4 =	sld [smem:$0x3FFD];
	_ =	sdelay $0x3  }
0x97: {  	_ =	strace s4  }
0x98: {  	_ =	strace $0x8FFFFFFF  }
0x99: {  	s19 =	sld [smem:$0x3FDB];
	_ =	sdelay $0x1  }
0x9a: {  	s5 =	simm.s32 $_scs_section_size  }
0x9b: {  	s6 =	simm.s32 $_size__tile_overlayer_lowered;
	s7 =	simm.s32 $_tile_overlayer_lowered  }
0x9c: {  	s22 =	simm.s32 $0x1BFF;
	s21 =	sshll.u32 s7, $0x1;
	s4 =	sadd.s32 s5, s19  }
0x9d: {  	s8 =	simm.s32 $0x0;
	s20 =	sshll.u32 s6, $0x1;
	s6 =	sadd.s32 s21, s4  }
0x9e: {  	[timem:s8], [sflag:s22] =	dma.local [hbm:s6], s20  }
0x9f: {  	_ =	swait.ge [sflag:s22], s20  }
0xa0: {  	s5 =	ssub.s32 $0x0, s20;
	[sflag:s22] =	ssyncset.done $0x0  }
0xa1: {  	[sflag:s22] =	ssyncadd.s32 s5;
	_ =	sdelay $0x1  }
0xa2: {  	s23 =	simm.s32 $0x1B8B  }
0xa3: {  	_ =	swait.ge [sflag:s23], $0x1  }
0xa4: {  	[sflag:s23] =	ssyncset.done $0x0  }
0xa5: {  	s25 =	simm.s32 $0x1B8E;
	s24 =	sld [smem:$0x3FFE];
	[sflag:s23] =	ssyncadd.s32 $0xFFFFFFFF  }
0xa6: {  	s26 =	simm.s32 $execute0_lowered;
	[smem:$0x3FD2] =	sst s25  }
0xa7: {  	s6 =	sshll.u32 s26, $0x1;
	_ =	strace $0x80000046;
	[dreg:$0x1] =	wrdreg $0xFFFFFFFF  }
0xa8: {  	s28 =	simm.s32 $_size_execute0_lowered;
	s4 =	sadd.s32 s4, s6;
	[dreg:$0x0] =	wrdreg $0x0  }
0xa9: {  	s6 =	sshll.u32 s28, $0x1;
	[dreg:$0x2] =	wrdreg s4  }
0xaa: {  	[dreg:$0x3] =	wrdreg s6  }
0xab: {  	[dreg:$0x4] =	wrdreg $0xC0  }
0xac: {  	_ =	task [dreg:s8], $0x5FFFF  }
0xad: {  	[dreg:$0x1] =	wrdreg $0xFFFFFFFF  }
0xae: {  	[dreg:$0x0] =	wrdreg $0x60  }
0xaf: {  	[dreg:$0x2] =	wrdreg s2  }
0xb0: {  	[dreg:$0x3] =	wrdreg s18  }
0xb1: {  	[dreg:$0x4] =	wrdreg s24  }
0xb2: {  	[dreg:$0x5] =	wrdreg $0x9  }
0xb3: {  	_ =	task.clear_ibuf [dreg:s8], $0x6FFFF;
	_ =	strace $0x90000046  }
0xb4: {  	s29 =	simm.s32 $0x9;
	_ =	strace $0x80000048  }
0xb5: {  	_ =	swait.ge [sflag:s29], $0x1  }
0xb6: {  	[sflag:s29] =	ssyncadd.s32 $0xFFFFFFFF  }
0xb7: {  	_ =	strace $0x90000048  }
0xb8: {  	_ =	sfence  }
0xb9: {  	s30 =	sld [smem:$0x0];
	_ =	sdelay $0x2  }
0xba: {  	s31 =	sshll.u32 s1, $0xD;
	s1 =	sshrl.u32 s1, $0x2  }
0xbb: {  	s3 =	sand.u32 $0x4000, s31;
	s1 =	sadd.s32 s1, s30  }
0xbc: {  	s0 =	sor.u32 s3, s0;
	s1 =	sshll.u32 s1, $0x11  }
0xbd: {  	s0 =	sor.u32 s1, s0  }
0xbe: {  	s0 =	sadd.s32 $0x8F2B, s0  }
0xbf: {  	[sflag:s0] =	ssyncadd.remote.s32 $0x1  }
0xc0: {  	_ =	sfence.sel $0xFFFF  }
0xc1: {  	[dreg:$0x0] =	wrdreg $0xFFFFFFFF;
	(pc) =	sbr.abs _section_cstart, $3  }
0xc2: {  	[dreg:$0x1] =	wrdreg $0xFFFFFFFF  }
0xc3: {  	_ =	task.clear_ibuf [dreg:s8], $0x2FFFF;
	_ =	strace $0x9FFFFFFF  }
0xc4: {  	(tm) =	ssettm $0x7FFFFFFF  }
0xc5: {  	_ =	shalt  }
tec
execute0_lowered:
.L_overlay_start_1:
0x0: {  	(tag) =	ssettag $0x1  }
0x1: {  	s1 =	rddreg [dreg:$0x0]  }
0x2: {  	s4 =	rddreg [dreg:$0x1];
	s2 =	srdreg.scid  }
0x3: {  	s0 =	stileid.u32;
	s5 =	rddreg [dreg:$0x2]  }
0x4: {  	s3 =	simm.s32 $0x0;
	s12 =	simm.s32 $0x8;
	s13 =	simm.s32 $0x1380  }
0x5: {  	s14 =	simm.s32 $0x0;
	s6 =	sand.u32 $0x1, s2;
	s2 =	rddreg [dreg:$0x3]  }
0x6: {  	s7 =	sshll.u32 s0, $0x1;
	[smem:$0x7FF] =	sst s3;
	s9 =	smul.u32 $0x138800, s0  }
0x7: {  	s7 =	sor.u32 s6, s7;
	s29 =	ssub.s32 $0x2, s6;
	s6 =	smul.u32 $0x9C400, s6  }
0x8: {  	s10 =	sadd.s32 $0x4A00, s5;
	s8 =	smul.u32 $0x9C400, s7;
	s11 =	sshrl.u32 s29, $0x1  }
0x9: {  	_ =	strace $0x80000047;
	s7 =	smul.u32 $0x271, s7;
	s11 =	ssub.s32 s29, s11  }
0xa: {  	s6 =	sadd.s32 s6, s9;
	s9 =	simm.s32 $0x80;
	s8 =	sshrl.u32 s8, $0x3  }
0xb: {  	s4 =	sadd.s32 s4, s7;
	s31 =	sshrl.u32 s6, $0x3;
	s6 =	smax.u32 s11, $0x1  }
0xc: {  	s11 =	simm.s32 $0x1;
	s30 =	sadd.s32 s10, s8;
	s7 =	sadd.s32 s31, s10  }
0xd: {  	s8 =	simm.s32 $0x2;
	s10 =	simm.s32 $0x1400;
	s5 =	sadd.s32 $0x13800, s30  }
.LBB2_1:
0xe: {  	[tilespmem:s3], [sflag:$0x2] =	stream.linear.gather [hbm4b:s4+s3], $0x1388, $0x38;
	[tilespmem:$0x5400] =	vst v63  }
0xf: {  	_ =	swait.ge [sflag:s8], $0x1388  }
0x10: {  	[sflag:s8] =	ssyncset.done $0x0  }
0x11: {  	s15 =	simm.s32 $0x0;
	[sflag:s8] =	ssyncadd.s32 $0xFFFFEC78  }
0x12: {  	[tilespmem:s10], [sflag:$0x1] =	stream.indirect.gather [hbm4b:s1+s9], $0x80, s15, s9, $0xb8;
	[tilespmem:$0x5400] =	vst v63  }
0x13: {  	_ =	swait.ge [sflag:s11], $0x4000  }
0x14: {  	[sflag:s11] =	ssyncset.done $0x0  }
0x15: {  	[sflag:s11] =	ssyncadd.s32 $0xFFFFC000  }
0x16: {  	[hbm4b:s7+s3] =	stream.linear.scatter [tilespmem:s10], [sflag:$0x2], $0x4000, $0x38;
	[tilespmem:$0x5400] =	vst v63  }
0x17: {  	s16 =	simm.s32 $0x200;
	_ =	swait.ge [sflag:s8], $0x4000  }
0x18: {  	s17 =	simm.s32 $0x400;
	s15 =	sadd.s32 $0x800, s7;
	[sflag:s8] =	ssyncset.done $0x0  }
.LBB2_2:
0x19: {  	s18 =	sshra.s32 s16, $0x2  }
0x1a: {  	[sflag:s8] =	ssyncadd.s32 $0xFFFFC000;
	s16 =	smov.u32 s17;
	s19 =	sadd.s32 $0x200, s17  }
0x1b: {  	[tilespmem:s10], [sflag:$0x1] =	stream.indirect.gather [hbm4b:s1+s9], $0x80, s18, s9, $0xb8;
	[tilespmem:$0x5400] =	vst v63  }
0x1c: {  	p0 =	sne.s32 s17, $0x4C00;
	_ =	swait.ge [sflag:s11], $0x4000  }
.Ltmp0:
0x1d: {  	[sflag:s11] =	ssyncset.done $0x0;
	(pc) =	sbr.rel @p0 .LBB2_2-.Ltmp0, $4  }
0x1e: {  	[sflag:s11] =	ssyncadd.s32 $0xFFFFC000  }
0x1f: {  	[hbm4b:s15+s3] =	stream.linear.scatter [tilespmem:s10], [sflag:$0x2], $0x4000, $0x38;
	[tilespmem:$0x5400] =	vst v63  }
0x20: {  	_ =	swait.ge [sflag:s8], $0x4000  }
0x21: {  	s17 =	smov.u32 s19;
	s15 =	sadd.s32 $0x800, s15;
	[sflag:s8] =	ssyncset.done $0x0  }
0x22: {  	s16 =	sshra.s32 s16, $0x2;
	[sflag:s8] =	ssyncadd.s32 $0xFFFFC000  }
0x23: {  	[tilespmem:s10], [sflag:$0x1] =	stream.indirect.gather [hbm4b:s1+s9], $0x80, s16, s9, $0xb8;
	[tilespmem:$0x5400] =	vst v63  }
0x24: {  	_ =	swait.ge [sflag:s11], $0x4000  }
0x25: {  	[sflag:s11] =	ssyncset.done $0x0  }
0x26: {  	[sflag:s11] =	ssyncadd.s32 $0xFFFFC000  }
0x27: {  	[hbm4b:s15+s3] =	stream.linear.scatter [tilespmem:s10], [sflag:$0x2], $0x4000, $0x38;
	[tilespmem:$0x5400] =	vst v63  }
0x28: {  	_ =	swait.ge [sflag:s8], $0x4000  }
0x29: {  	[sflag:s8] =	ssyncset.done $0x0  }
0x2a: {  	[sflag:s8] =	ssyncadd.s32 $0xFFFFC000  }
0x2b: {  	[tilespmem:s10], [sflag:$0x1] =	stream.indirect.gather [hbm4b:s1+s12], $0x80, s13, s12, $0xb8;
	[tilespmem:$0x5400] =	vst v63  }
0x2c: {  	s14 =	sadd.s32 $0x1, s14;
	_ =	swait.ge [sflag:s11], $0x400  }
0x2d: {  	p0 =	sne.s32 s14, s6;
	[sflag:s11] =	ssyncset.done $0x0  }
.Ltmp1:
0x2e: {  	[sflag:s11] =	ssyncadd.s32 $0xFFFFFC00;
	(pc) =	sbr.rel @p0 .LBB2_1-.Ltmp1, $4  }
0x2f: {  	[hbm4b:s5+s3] =	stream.linear.scatter [tilespmem:s10], [sflag:$0x2], $0x400, $0x38;
	[tilespmem:$0x5400] =	vst v63  }
0x30: {  	_ =	swait.ge [sflag:s8], $0x400  }
0x31: {  	[sflag:s8] =	ssyncset.done $0x0  }
0x32: {  	[sflag:s8] =	ssyncadd.s32 $0xFFFFFC00  }
0x33: {  	_ =	sfence.sel $0x180000  }
0x34: {  	[bflag:$0x0] =	sbarrier.arrive $0xFFFF  }
0x35: {  	p0 =	sne.s32 s0, $0x0;
	_ =	strace $0x90000047  }
0x36: {  	s0 =	sadd.s32 @!p0 $0x100000, s2;
	[bflag:$0x2] =	sbarrier.arrive $0xFFFF  }
0x37: {  	[sflag:s0] =	ssyncadd.tile.s32 @!p0 $0x1;
	_ =	shalt  }
.Lfunc_end2:
_tile_overlayer_lowered:
.L_overlay_start_2:
0x38: {  	(tag) =	ssettag $0x2  }
0x39: {  	s0 =	rddreg [dreg:$0x0];
	s2 =	stileid.u32  }
0x3a: {  	s1 =	rddreg [dreg:$0x1];
	p0 =	sne.s32 s2, $0x0  }
0x3b: {  	s3 =	rddreg [dreg:$0x2];
	[bflag:$0x3] =	sbarrier.arrive $0xFFFF;
	s2 =	simm.s32 @!p0 $0x1C02  }
0x3c: {  	[timem:s3], [sflag:s2] =	dma.local @!p0 [hbm:s0], s1  }
0x3d: {  	s0 =	simm.s32 @!p0 $0x2  }
0x3e: {  	_ =	swait.ge @!p0 [sflag:s0], s1  }
0x3f: {  	s1 =	ssub.s32 @!p0 $0x0, s1;
	[sflag:s0] =	ssyncset.done @!p0 $0x0  }
0x40: {  	[sflag:s0] =	ssyncadd.s32 @!p0 s1  }
0x41: {  	[bflag:$0x3] =	sbarrier.arrive $0xFFFF  }
0x42: {  	_ =	shalt  }

</sc_bundles>
